<compile_context>
chip_gen: v7x
topology: tpu7x:2x2x1
jax: 0.10.2.dev20260603
libtpu: 0.0.44.dev20260713+nightly
codegen_flags: <defaults>
</compile_context>

<pallas_src>
import functools

import jax
import jax.numpy as jnp
from jax import lax
from jax.experimental import pallas as pl
from jax.experimental.pallas import tpu as pltpu
from jax.experimental.pallas import tpu_sc as plsc

_NC = 2
_NS = 16
_NW = _NC * _NS
_LANES = 16
_CHUNK = 128


def _perm_flat(x):
    b, m = x.shape
    return x.reshape(b // 128, 128, m // 8, 8).transpose(2, 0, 3, 1).reshape(-1)


def _sc_gather(scores_flat, idx_flat, n_bt):
    total = idx_flat.shape[0]
    assert total % (_NW * _CHUNK) == 0
    per_w = total // _NW
    n_chunks = per_w // _CHUNK

    mesh = plsc.VectorSubcoreMesh(core_axis_name="c", subcore_axis_name="s")

    @functools.partial(
        pl.kernel,
        out_type=jax.ShapeDtypeStruct((total,), jnp.float32),
        mesh=mesh,
        scratch_types=[
            pltpu.VMEM((per_w,), jnp.int32),
            pltpu.VMEM((per_w,), jnp.float32),
            pltpu.SemaphoreType.DMA,
            pltpu.SemaphoreType.DMA,
        ],
    )
    def gather_kernel(scores_hbm, idx_hbm, out_hbm, idx_v, vals_v, sem, sem2):
        wid = lax.axis_index("s") * _NC + lax.axis_index("c")
        elem_base = wid * per_w
        half = per_w // 2
        stage2 = pltpu.make_async_copy(
            idx_hbm.at[pl.ds(elem_base + half, half)],
            idx_v.at[pl.ds(half, half)],
            sem2,
        )
        stage2.start()
        pltpu.sync_copy(idx_hbm.at[pl.ds(elem_base, half)], idx_v.at[pl.ds(0, half)])

        lane = lax.iota(jnp.int32, _LANES)
        sh = 10 + (n_bt.bit_length() - 1)
        m_hi = jnp.int32(-(1 << sh))
        m_jr = jnp.int32(7 << 7)
        m_b = jnp.int32(((n_bt - 1) << 10) | 127)

        def chunk_body(c, _):
            col0 = c * _CHUNK

            def vec_body(v, _):
                col = col0 + v * _LANES
                q = lax.broadcast(elem_base + col, (_LANES,)) + lane
                j = idx_v[pl.ds(col, _LANES)]
                hi = lax.bitwise_and(lax.shift_left(j, sh - 3), m_hi)
                jr = lax.bitwise_and(lax.shift_left(j, 7), m_jr)
                idx_v[pl.ds(col, _LANES)] = lax.bitwise_or(
                    lax.bitwise_or(hi, jr), lax.bitwise_and(q, m_b)
                )
                return 0

            lax.fori_loop(0, _CHUNK // _LANES, vec_body, 0)
            pltpu.make_async_copy(
                scores_hbm.at[idx_v.at[pl.ds(col0, _CHUNK)]],
                vals_v.at[pl.ds(col0, _CHUNK)],
                sem,
            ).start()
            return 0

        lax.fori_loop(0, n_chunks // 2, chunk_body, 0)
        stage2.wait()
        lax.fori_loop(n_chunks // 2, n_chunks, chunk_body, 0)
        pltpu.make_async_copy(
            scores_hbm.at[pl.ds(0, per_w)], vals_v, sem
        ).wait()

        pltpu.sync_copy(vals_v, out_hbm.at[pl.ds(elem_base, per_w)])

    return gather_kernel(scores_flat, idx_flat)


def _tc_log_softmax_perm(g4):

    def body(x_ref, o_ref):
        x = x_ref[...]
        m = jnp.max(jnp.max(x, axis=0, keepdims=True), axis=2, keepdims=True)
        e = jnp.exp(x - m)
        s = jnp.sum(jnp.sum(e, axis=0, keepdims=True), axis=2, keepdims=True)
        o_ref[...] = (x - m) - jnp.log(s)

    return pl.pallas_call(
        body,
        out_shape=jax.ShapeDtypeStruct(g4.shape, g4.dtype),
    )(g4)


def kernel(scores, idx):
    b, n = scores.shape
    k = idx.shape[1]
    assert b % 128 == 0 and n % 8 == 0 and k % 8 == 0
    assert (b * k) % (_NW * _CHUNK) == 0
    n_bt = b // 128
    assert n_bt & (n_bt - 1) == 0

    gathered = _sc_gather(_perm_flat(scores), _perm_flat(idx), n_bt)
    out4 = _tc_log_softmax_perm(gathered.reshape(k // 8, n_bt, 8, 128))
    return out4.transpose(1, 3, 0, 2).reshape(b, k)

# --- scband reference (transcript-rebuilt; emitter-appended) ---
"""Pipeline reference for scband-nlmwrapper-33930241638516 (READ-ONLY COPY).

The authoritative reference and input builder live on the scoring server;
editing this copy changes nothing except your own understanding.
"""

import jax, jax.numpy as jnp
import numpy as np

B = 1024
N = 100000
K = 200

def setup_inputs(seed: int = 0) -> dict:
    key = jax.random.key(seed)
    k1, k2 = jax.random.split(key)
    scores = jax.random.normal(k1, (B, N), dtype=jnp.float32)
    idx = jax.random.randint(k2, (B, K), 0, N, dtype=jnp.int32)
    return {"scores": scores, "idx": idx}

def reference(scores, idx):
    # Faithful analog of NLMWrapper._mask_unapplicable_actions +
    # _get_nlm_output_applicable_actions + _log_softmax:
    # 1) build a mask tensor full of a large negative value (stand-in for -inf)
    # 2) scatter-overwrite 0.0 at the (problem, action) indices of applicable actions
    # 3) add mask to the NLM output scores
    # 4) gather the masked scores at the applicable-action indices
    # 5) per-problem log_softmax over the gathered applicable-action scores
    MASK_VAL = -1e9
    b = scores.shape[0]
    mask = jnp.full_like(scores, MASK_VAL)
    batch_idx = jnp.arange(b, dtype=idx.dtype)[:, None]
    mask = mask.at[batch_idx, idx].set(0.0)
    masked = scores + mask
    gathered = jnp.take_along_axis(masked, idx, axis=1)
    logZ = jax.nn.logsumexp(gathered, axis=1, keepdims=True)
    logprobs = gathered - logZ
    return logprobs

if __name__ == "__main__":
    import jax
    _d = setup_inputs()
    print(jax.jit(kernel)(*tuple(_d.values())))

</pallas_src>

<mosaic_0001>
#map = affine_map<(d0, d1) -> (0)>
module attributes {stable_mosaic.version = 14 : i64} {
  func.func @gather_kernel(%arg0: i32, %arg1: i32, %arg2: memref<102400000xf32, #tpu.memory_space<hbm>>, %arg3: memref<204800xi32, #tpu.memory_space<hbm>>, %arg4: memref<204800xf32, #tpu.memory_space<hbm>>, %arg5: memref<6400xi32, #tpu.memory_space<vmem>>, %arg6: memref<6400xf32, #tpu.memory_space<vmem>>, %arg7: memref<!tpu.dma_semaphore, #tpu.memory_space<semaphore_mem>>, %arg8: memref<!tpu.dma_semaphore, #tpu.memory_space<semaphore_mem>>) attributes {dimension_semantics = [#tpu.dimension_semantics<core_parallel>, #tpu.dimension_semantics<subcore_parallel>], iteration_bounds = array<i64: 2, 16>, scalar_prefetch = 0 : i64, scratch_operands = 4 : i64, tpu.core_type = #tpu.core_type<sc_vector_subcore>, window_params = [{transform_indices = #map}, {transform_indices = #map}, {transform_indices = #map}]} {
    %mul3A = arith.constant 2 : i32
    %mul3A_0 = arith.muli %arg1, %mul3A : i32
    %add3A = arith.addi %mul3A_0, %arg0 : i32
    %mul3A_1 = arith.constant 6400 : i32
    %mul3A_2 = arith.muli %add3A, %mul3A_1 : i32
    %add3A_3 = arith.constant 3200 : i32
    %add3A_4 = arith.addi %mul3A_2, %add3A_3 : i32
    %dma_start3A = arith.constant 3200 : i32
    %dma_start3A_5 = tpu.memref_slice %arg5[%dma_start3A] : memref<6400xi32, #tpu.memory_space<vmem>> -> memref<3200xi32, #tpu.memory_space<vmem>>
    %dma_start3A_6 = tpu.memref_slice %arg3[%add3A_4] : memref<204800xi32, #tpu.memory_space<hbm>> -> memref<3200xi32, #tpu.memory_space<hbm>>
    %dma_start3A_7 = arith.constant 3200 : i32
    %dma_start3A_8 = tpu.memref_slice %arg5[%dma_start3A_7] : memref<6400xi32, #tpu.memory_space<vmem>> -> memref<3200xi32, #tpu.memory_space<vmem>>
    %dma_start3A_9 = tpu.memref_slice %arg3[%add3A_4] : memref<204800xi32, #tpu.memory_space<hbm>> -> memref<3200xi32, #tpu.memory_space<hbm>>
    tpu.enqueue_dma source(%dma_start3A_9 : memref<3200xi32, #tpu.memory_space<hbm>>) target(%dma_start3A_8 : memref<3200xi32, #tpu.memory_space<vmem>>) target_semaphore(%arg8 : memref<!tpu.dma_semaphore, #tpu.memory_space<semaphore_mem>>)
    "tpu.region"() ({
      %run_scoped3A = tpu.sem_alloc : memref<!tpu.dma_semaphore, #tpu.memory_space<semaphore_mem>>
      %dma_start3A_38 = arith.constant 0 : i32
      %dma_start3A_39 = tpu.memref_slice %arg5[%dma_start3A_38] : memref<6400xi32, #tpu.memory_space<vmem>> -> memref<3200xi32, #tpu.memory_space<vmem>>
      %dma_start3A_40 = tpu.memref_slice %arg3[%mul3A_2] : memref<204800xi32, #tpu.memory_space<hbm>> -> memref<3200xi32, #tpu.memory_space<hbm>>
      %dma_start3A_41 = arith.constant 0 : i32
      %dma_start3A_42 = tpu.memref_slice %arg5[%dma_start3A_41] : memref<6400xi32, #tpu.memory_space<vmem>> -> memref<3200xi32, #tpu.memory_space<vmem>>
      %dma_start3A_43 = tpu.memref_slice %arg3[%mul3A_2] : memref<204800xi32, #tpu.memory_space<hbm>> -> memref<3200xi32, #tpu.memory_space<hbm>>
      tpu.enqueue_dma source(%dma_start3A_43 : memref<3200xi32, #tpu.memory_space<hbm>>) target(%dma_start3A_42 : memref<3200xi32, #tpu.memory_space<vmem>>) target_semaphore(%run_scoped3A : memref<!tpu.dma_semaphore, #tpu.memory_space<semaphore_mem>>)
      %dma_wait3A_44 = arith.constant 0 : i32
      %dma_wait3A_45 = tpu.memref_slice %arg5[%dma_wait3A_44] : memref<6400xi32, #tpu.memory_space<vmem>> -> memref<3200xi32, #tpu.memory_space<vmem>>
      %dma_wait3A_46 = tpu.memref_slice %arg3[%mul3A_2] : memref<204800xi32, #tpu.memory_space<hbm>> -> memref<3200xi32, #tpu.memory_space<hbm>>
      %dma_wait3A_47 = arith.constant 0 : i32
      %dma_wait3A_48 = tpu.memref_slice %arg5[%dma_wait3A_47] : memref<6400xi32, #tpu.memory_space<vmem>> -> memref<3200xi32, #tpu.memory_space<vmem>>
      %dma_wait3A_49 = tpu.memref_slice %arg3[%mul3A_2] : memref<204800xi32, #tpu.memory_space<hbm>> -> memref<3200xi32, #tpu.memory_space<hbm>>
      tpu.wait_dma2 semaphore(%run_scoped3A : memref<!tpu.dma_semaphore, #tpu.memory_space<semaphore_mem>>) src(%dma_wait3A_49 : memref<3200xi32, #tpu.memory_space<hbm>>) dst(%dma_wait3A_48 : memref<3200xi32, #tpu.memory_space<vmem>>)
      tpu.yield
    }) : () -> ()
    %iota3A = tpu.iota {dimensions = array<i32: 0>} : vector<16xi32>
    %scan3A = arith.constant -8192 : i32
    %scan3A_10 = arith.constant 896 : i32
    %scan3A_11 = arith.constant 7295 : i32
    %scan3A_12 = arith.constant 0 : i32
    %scan3A_13 = arith.constant 0 : i32
    %scan3A_14 = arith.constant 25 : i32
    %scan3A_15 = arith.addi %scan3A_13, %scan3A_14 : i32
    %scan3A_16 = arith.constant 1 : i32
    %scan3A_17 = scf.for %scan3A_38 = %scan3A_13 to %scan3A_15 step %scan3A_16 iter_args(%scan3A_39 = %scan3A_12) -> (i32)  : i32 {
      %mul3A_40 = arith.constant 128 : i32
      %mul3A_41 = arith.muli %scan3A_38, %mul3A_40 : i32
      %scan3A_42 = arith.constant 0 : i32
      %scan3A_43 = arith.constant 0 : i32
      %scan3A_44 = arith.constant 8 : i32
      %scan3A_45 = arith.addi %scan3A_43, %scan3A_44 : i32
      %scan3A_46 = arith.constant 1 : i32
      %scan3A_47 = scf.for %scan3A_54 = %scan3A_43 to %scan3A_45 step %scan3A_46 iter_args(%scan3A_55 = %scan3A_42) -> (i32)  : i32 {
        %mul3A_56 = arith.constant 16 : i32
        %mul3A_57 = arith.muli %scan3A_54, %mul3A_56 : i32
        %add3A_58 = arith.addi %mul3A_41, %mul3A_57 : i32
        %add3A_59 = arith.addi %mul3A_2, %add3A_58 : i32
        %broadcast_in_dim3A = vector.broadcast %add3A_59 : i32 to vector<16xi32>
        %add3A_60 = arith.addi %broadcast_in_dim3A, %iota3A : vector<16xi32>
        %get3A = arith.index_cast %add3A_58 : i32 to index
        %get3A_61 = tpu.vector_load %arg5[%get3A] {strides = array<i32>} : memref<6400xi32, #tpu.memory_space<vmem>>, vector<16xi32>,
        %get3A_62 = vector.shape_cast %get3A_61 : vector<16xi32> to vector<16xi32>
        %shift_left3A = arith.constant 10 : i32
        %shift_left3A_63 = vector.broadcast %shift_left3A : i32 to vector<16xi32>
        %shift_left3A_64 = arith.shli %get3A_62, %shift_left3A_63 : vector<16xi32>
        %and3A = vector.broadcast %scan3A : i32 to vector<16xi32>
        %and3A_65 = arith.andi %shift_left3A_64, %and3A : vector<16xi32>
        %shift_left3A_66 = arith.constant 7 : i32
        %shift_left3A_67 = vector.broadcast %shift_left3A_66 : i32 to vector<16xi32>
        %shift_left3A_68 = arith.shli %get3A_62, %shift_left3A_67 : vector<16xi32>
        %and3A_69 = vector.broadcast %scan3A_10 : i32 to vector<16xi32>
        %and3A_70 = arith.andi %shift_left3A_68, %and3A_69 : vector<16xi32>
        %or3A = arith.ori %and3A_65, %and3A_70 : vector<16xi32>
        %and3A_71 = vector.broadcast %scan3A_11 : i32 to vector<16xi32>
        %and3A_72 = arith.andi %add3A_60, %and3A_71 : vector<16xi32>
        %or3A_73 = arith.ori %or3A, %and3A_72 : vector<16xi32>
        %swap3A = arith.index_cast %add3A_58 : i32 to index
        %swap3A_74 = tpu.vector_load %arg5[%swap3A] {strides = array<i32>} : memref<6400xi32, #tpu.memory_space<vmem>>, vector<16xi32>,
        %swap3A_75 = vector.shape_cast %swap3A_74 : vector<16xi32> to vector<16xi32>
        %swap3A_76 = vector.shape_cast %or3A_73 : vector<16xi32> to vector<16xi32>
        tpu.vector_store %arg5[%swap3A], %swap3A_76 {strides = array<i32>} : memref<6400xi32, #tpu.memory_space<vmem>>, vector<16xi32>,
        %scan3A_77 = arith.constant 0 : i32
        scf.yield %scan3A_77 : i32
      }
      %scan3A_48 = arith.constant 8 : i32
      %dma_start3A_49 = tpu.memref_slice %arg6[%mul3A_41] : memref<6400xf32, #tpu.memory_space<vmem>> -> memref<128xf32, #tpu.memory_space<vmem>>
      %dma_start3A_50 = tpu.memref_slice %arg5[%mul3A_41] : memref<6400xi32, #tpu.memory_space<vmem>> -> memref<128xi32, #tpu.memory_space<vmem>>
      %dma_start3A_51 = arith.constant 0 : i32
      %dma_start3A_52 = tpu.memref_slice %arg2[%dma_start3A_51] : memref<102400000xf32, #tpu.memory_space<hbm>> -> memref<102400000xf32, #tpu.memory_space<hbm>>
      tpu.enqueue_indirect_dma source(%dma_start3A_52 : memref<102400000xf32, #tpu.memory_space<hbm>>) target(%dma_start3A_49 : memref<128xf32, #tpu.memory_space<vmem>>) offsets(%dma_start3A_50 : memref<128xi32, #tpu.memory_space<vmem>>) semaphore(%arg7 : memref<!tpu.dma_semaphore, #tpu.memory_space<semaphore_mem>>)
      %scan3A_53 = arith.constant 0 : i32
      scf.yield %scan3A_53 : i32
    }
    %scan3A_18 = arith.constant 25 : i32
    %dma_wait3A = arith.constant 3200 : i32
    %dma_wait3A_19 = tpu.memref_slice %arg5[%dma_wait3A] : memref<6400xi32, #tpu.memory_space<vmem>> -> memref<3200xi32, #tpu.memory_space<vmem>>
    %dma_wait3A_20 = tpu.memref_slice %arg3[%add3A_4] : memref<204800xi32, #tpu.memory_space<hbm>> -> memref<3200xi32, #tpu.memory_space<hbm>>
    %dma_wait3A_21 = arith.constant 3200 : i32
    %dma_wait3A_22 = tpu.memref_slice %arg5[%dma_wait3A_21] : memref<6400xi32, #tpu.memory_space<vmem>> -> memref<3200xi32, #tpu.memory_space<vmem>>
    %dma_wait3A_23 = tpu.memref_slice %arg3[%add3A_4] : memref<204800xi32, #tpu.memory_space<hbm>> -> memref<3200xi32, #tpu.memory_space<hbm>>
    tpu.wait_dma2 semaphore(%arg8 : memref<!tpu.dma_semaphore, #tpu.memory_space<semaphore_mem>>) src(%dma_wait3A_23 : memref<3200xi32, #tpu.memory_space<hbm>>) dst(%dma_wait3A_22 : memref<3200xi32, #tpu.memory_space<vmem>>)
    %scan3A_24 = arith.constant -8192 : i32
    %scan3A_25 = arith.constant 896 : i32
    %scan3A_26 = arith.constant 7295 : i32
    %scan3A_27 = arith.constant 0 : i32
    %scan3A_28 = arith.constant 25 : i32
    %scan3A_29 = arith.constant 25 : i32
    %scan3A_30 = arith.addi %scan3A_28, %scan3A_29 : i32
    %scan3A_31 = arith.constant 1 : i32
    %scan3A_32 = scf.for %scan3A_38 = %scan3A_28 to %scan3A_30 step %scan3A_31 iter_args(%scan3A_39 = %scan3A_27) -> (i32)  : i32 {
      %mul3A_40 = arith.constant 128 : i32
      %mul3A_41 = arith.muli %scan3A_38, %mul3A_40 : i32
      %scan3A_42 = arith.constant 0 : i32
      %scan3A_43 = arith.constant 0 : i32
      %scan3A_44 = arith.constant 8 : i32
      %scan3A_45 = arith.addi %scan3A_43, %scan3A_44 : i32
      %scan3A_46 = arith.constant 1 : i32
      %scan3A_47 = scf.for %scan3A_54 = %scan3A_43 to %scan3A_45 step %scan3A_46 iter_args(%scan3A_55 = %scan3A_42) -> (i32)  : i32 {
        %mul3A_56 = arith.constant 16 : i32
        %mul3A_57 = arith.muli %scan3A_54, %mul3A_56 : i32
        %add3A_58 = arith.addi %mul3A_41, %mul3A_57 : i32
        %add3A_59 = arith.addi %mul3A_2, %add3A_58 : i32
        %broadcast_in_dim3A = vector.broadcast %add3A_59 : i32 to vector<16xi32>
        %add3A_60 = arith.addi %broadcast_in_dim3A, %iota3A : vector<16xi32>
        %get3A = arith.index_cast %add3A_58 : i32 to index
        %get3A_61 = tpu.vector_load %arg5[%get3A] {strides = array<i32>} : memref<6400xi32, #tpu.memory_space<vmem>>, vector<16xi32>,
        %get3A_62 = vector.shape_cast %get3A_61 : vector<16xi32> to vector<16xi32>
        %shift_left3A = arith.constant 10 : i32
        %shift_left3A_63 = vector.broadcast %shift_left3A : i32 to vector<16xi32>
        %shift_left3A_64 = arith.shli %get3A_62, %shift_left3A_63 : vector<16xi32>
        %and3A = vector.broadcast %scan3A_24 : i32 to vector<16xi32>
        %and3A_65 = arith.andi %shift_left3A_64, %and3A : vector<16xi32>
        %shift_left3A_66 = arith.constant 7 : i32
        %shift_left3A_67 = vector.broadcast %shift_left3A_66 : i32 to vector<16xi32>
        %shift_left3A_68 = arith.shli %get3A_62, %shift_left3A_67 : vector<16xi32>
        %and3A_69 = vector.broadcast %scan3A_25 : i32 to vector<16xi32>
        %and3A_70 = arith.andi %shift_left3A_68, %and3A_69 : vector<16xi32>
        %or3A = arith.ori %and3A_65, %and3A_70 : vector<16xi32>
        %and3A_71 = vector.broadcast %scan3A_26 : i32 to vector<16xi32>
        %and3A_72 = arith.andi %add3A_60, %and3A_71 : vector<16xi32>
        %or3A_73 = arith.ori %or3A, %and3A_72 : vector<16xi32>
        %swap3A = arith.index_cast %add3A_58 : i32 to index
        %swap3A_74 = tpu.vector_load %arg5[%swap3A] {strides = array<i32>} : memref<6400xi32, #tpu.memory_space<vmem>>, vector<16xi32>,
        %swap3A_75 = vector.shape_cast %swap3A_74 : vector<16xi32> to vector<16xi32>
        %swap3A_76 = vector.shape_cast %or3A_73 : vector<16xi32> to vector<16xi32>
        tpu.vector_store %arg5[%swap3A], %swap3A_76 {strides = array<i32>} : memref<6400xi32, #tpu.memory_space<vmem>>, vector<16xi32>,
        %scan3A_77 = arith.constant 0 : i32
        scf.yield %scan3A_77 : i32
      }
      %scan3A_48 = arith.constant 8 : i32
      %dma_start3A_49 = tpu.memref_slice %arg6[%mul3A_41] : memref<6400xf32, #tpu.memory_space<vmem>> -> memref<128xf32, #tpu.memory_space<vmem>>
      %dma_start3A_50 = tpu.memref_slice %arg5[%mul3A_41] : memref<6400xi32, #tpu.memory_space<vmem>> -> memref<128xi32, #tpu.memory_space<vmem>>
      %dma_start3A_51 = arith.constant 0 : i32
      %dma_start3A_52 = tpu.memref_slice %arg2[%dma_start3A_51] : memref<102400000xf32, #tpu.memory_space<hbm>> -> memref<102400000xf32, #tpu.memory_space<hbm>>
      tpu.enqueue_indirect_dma source(%dma_start3A_52 : memref<102400000xf32, #tpu.memory_space<hbm>>) target(%dma_start3A_49 : memref<128xf32, #tpu.memory_space<vmem>>) offsets(%dma_start3A_50 : memref<128xi32, #tpu.memory_space<vmem>>) semaphore(%arg7 : memref<!tpu.dma_semaphore, #tpu.memory_space<semaphore_mem>>)
      %scan3A_53 = arith.constant 0 : i32
      scf.yield %scan3A_53 : i32
    }
    %scan3A_33 = arith.constant 25 : i32
    %dma_wait3A_34 = arith.constant 0 : i32
    %dma_wait3A_35 = tpu.memref_slice %arg2[%dma_wait3A_34] : memref<102400000xf32, #tpu.memory_space<hbm>> -> memref<6400xf32, #tpu.memory_space<hbm>>
    %dma_wait3A_36 = arith.constant 0 : i32
    %dma_wait3A_37 = tpu.memref_slice %arg2[%dma_wait3A_36] : memref<102400000xf32, #tpu.memory_space<hbm>> -> memref<6400xf32, #tpu.memory_space<hbm>>
    tpu.wait_dma2 semaphore(%arg7 : memref<!tpu.dma_semaphore, #tpu.memory_space<semaphore_mem>>) src(%dma_wait3A_37 : memref<6400xf32, #tpu.memory_space<hbm>>) dst(%arg6 : memref<6400xf32, #tpu.memory_space<vmem>>)
    "tpu.region"() ({
      %run_scoped3A = tpu.sem_alloc : memref<!tpu.dma_semaphore, #tpu.memory_space<semaphore_mem>>
      %dma_start3A_38 = tpu.memref_slice %arg4[%mul3A_2] : memref<204800xf32, #tpu.memory_space<hbm>> -> memref<6400xf32, #tpu.memory_space<hbm>>
      %dma_start3A_39 = tpu.memref_slice %arg4[%mul3A_2] : memref<204800xf32, #tpu.memory_space<hbm>> -> memref<6400xf32, #tpu.memory_space<hbm>>
      tpu.enqueue_dma source(%arg6 : memref<6400xf32, #tpu.memory_space<vmem>>) target(%dma_start3A_39 : memref<6400xf32, #tpu.memory_space<hbm>>) target_semaphore(%run_scoped3A : memref<!tpu.dma_semaphore, #tpu.memory_space<semaphore_mem>>)
      %dma_wait3A_40 = tpu.memref_slice %arg4[%mul3A_2] : memref<204800xf32, #tpu.memory_space<hbm>> -> memref<6400xf32, #tpu.memory_space<hbm>>
      %dma_wait3A_41 = tpu.memref_slice %arg4[%mul3A_2] : memref<204800xf32, #tpu.memory_space<hbm>> -> memref<6400xf32, #tpu.memory_space<hbm>>
      tpu.wait_dma2 semaphore(%run_scoped3A : memref<!tpu.dma_semaphore, #tpu.memory_space<semaphore_mem>>) src(%arg6 : memref<6400xf32, #tpu.memory_space<vmem>>) dst(%dma_wait3A_41 : memref<6400xf32, #tpu.memory_space<hbm>>)
      tpu.yield
    }) : () -> ()
    return
  }
}

module attributes {stable_mosaic.version = 14 : i64} {
  func.func @body(%arg0: memref<25x8x8x128xf32, #tpu.memory_space<vmem>>, %arg1: memref<25x8x8x128xf32, #tpu.memory_space<vmem>>) attributes {dimension_semantics = [], scalar_prefetch = 0 : i64, scratch_operands = 0 : i64, tpu.core_type = #tpu.core_type<tc>} {
    %get3A = arith.constant 0 : index
    %get3A_0 = arith.constant 0 : index
    %get3A_1 = arith.constant 0 : index
    %get3A_2 = arith.constant 0 : index
    %get3A_3 = vector.load %arg0[%get3A, %get3A_0, %get3A_1, %get3A_2] : memref<25x8x8x128xf32, #tpu.memory_space<vmem>>, vector<25x8x8x128xf32>
    %reduce_max3A = arith.constant dense<0xFF800000> : vector<8x8x128xf32>
    %reduce_max3A_4 = vector.multi_reduction <maximumf>, %get3A_3, %reduce_max3A [0] : vector<25x8x8x128xf32> to vector<8x8x128xf32>
    %broadcast_in_dim3A = vector.shape_cast %reduce_max3A_4 : vector<8x8x128xf32> to vector<1x8x8x128xf32>
    %reduce_max3A_5 = arith.constant dense<0xFF800000> : vector<1x8x128xf32>
    %reduce_max3A_6 = vector.multi_reduction <maximumf>, %broadcast_in_dim3A, %reduce_max3A_5 [2] : vector<1x8x8x128xf32> to vector<1x8x128xf32>
    %broadcast_in_dim3A_7 = vector.shape_cast %reduce_max3A_6 : vector<1x8x128xf32> to vector<1x8x1x128xf32>
    %sub3A = vector.broadcast %broadcast_in_dim3A_7 : vector<1x8x1x128xf32> to vector<25x8x8x128xf32>
    %sub3A_8 = arith.subf %get3A_3, %sub3A : vector<25x8x8x128xf32>
    %exp3A = math.exp %sub3A_8 : vector<25x8x8x128xf32>
    %reduce_sum3A = arith.constant dense<0.000000e+00> : vector<8x8x128xf32>
    %reduce_sum3A_9 = vector.multi_reduction <add>, %exp3A, %reduce_sum3A [0] : vector<25x8x8x128xf32> to vector<8x8x128xf32>
    %broadcast_in_dim3A_10 = vector.shape_cast %reduce_sum3A_9 : vector<8x8x128xf32> to vector<1x8x8x128xf32>
    %reduce_sum3A_11 = arith.constant dense<0.000000e+00> : vector<1x8x128xf32>
    %reduce_sum3A_12 = vector.multi_reduction <add>, %broadcast_in_dim3A_10, %reduce_sum3A_11 [2] : vector<1x8x8x128xf32> to vector<1x8x128xf32>
    %broadcast_in_dim3A_13 = vector.shape_cast %reduce_sum3A_12 : vector<1x8x128xf32> to vector<1x8x1x128xf32>
    %sub3A_14 = vector.broadcast %broadcast_in_dim3A_7 : vector<1x8x1x128xf32> to vector<25x8x8x128xf32>
    %sub3A_15 = arith.subf %get3A_3, %sub3A_14 : vector<25x8x8x128xf32>
    %log3A = math.log %broadcast_in_dim3A_13 : vector<1x8x1x128xf32>
    %sub3A_16 = vector.broadcast %log3A : vector<1x8x1x128xf32> to vector<25x8x8x128xf32>
    %sub3A_17 = arith.subf %sub3A_15, %sub3A_16 : vector<25x8x8x128xf32>
    %swap3A = arith.constant 0 : index
    %swap3A_18 = arith.constant 0 : index
    %swap3A_19 = arith.constant 0 : index
    %swap3A_20 = arith.constant 0 : index
    %swap3A_21 = vector.load %arg1[%swap3A, %swap3A_18, %swap3A_19, %swap3A_20] : memref<25x8x8x128xf32, #tpu.memory_space<vmem>>, vector<25x8x8x128xf32>
    tpu.vector_store %arg1[%swap3A, %swap3A_18, %swap3A_19, %swap3A_20], %sub3A_17 {strides = array<i32>} : memref<25x8x8x128xf32, #tpu.memory_space<vmem>>, vector<25x8x8x128xf32>,
    return
  }
}

</mosaic_0001>

<sc_bundles>
// kernel: kernel.4.cloned.1.call-start
scs
__scs_entry_jumppad:
0x0: {  	(pc) =	sbr.rel $0x88, $3  }
0x1: {  	(tag) =	ssettag $0x0;
	lr =	simm.s32 $0x1  }
0x2: {  	[smem:$0x3F9F] =	sst lr;
	_ =	strace $0xD0000000  }
0x3: {  	_ = 	snop  }
0x4: {  	_ = 	snop  }
0x5: {  	_ = 	snop  }
0x6: {  	_ = 	snop  }
0x7: {  	_ = 	snop  }
__scs_overlays_trampoline_lowered:
0x8: {  	[smem:$0x3FAE] =	sst s0  }
0x9: {  	[smem:$0x3FAF] =	sst s1  }
0xa: {  	[smem:$0x3FB0] =	sst s2  }
0xb: {  	[smem:$0x3FB1] =	sst s3  }
0xc: {  	[smem:$0x3FB2] =	sst s4  }
0xd: {  	[smem:$0x3FB3] =	sst s5  }
0xe: {  	[smem:$0x3FB4] =	sst s6  }
0xf: {  	[smem:$0x3FB5] =	sst s7  }
0x10: {  	[smem:$0x3FB6] =	sst s8  }
0x11: {  	[smem:$0x3FB7] =	sst s9;
	s0 =	simm.s32 @!p0 $0x0  }
0x12: {  	s1 =	sld [smem:$0x3F9D];
	s0 =	simm.s32 @p0 $0x1  }
0x13: {  	[smem:$0x3FB8] =	sst s0;
	s0 =	simm.s32 @!p1 $0x0  }
0x14: {  	s2 =	sld [smem:$0x3F9C];
	s0 =	simm.s32 @p1 $0x1  }
0x15: {  	[smem:$0x3FB9] =	sst s0;
	s0 =	simm.s32 @!p2 $0x0  }
0x16: {  	s3 =	sld [smem:$0x3FDB];
	s0 =	simm.s32 @p2 $0x1  }
0x17: {  	s4 =	simm.s32 $0x1BF5;
	[smem:$0x3FBB] =	sst s0  }
0x18: {  	s0 =	sld [smem:$0x3F9E];
	_ =	swait.ge [sflag:s4], $0x0  }
0x19: {  	s7 =	sld [smem:$0x3F9F]  }
0x1a: {  	s8 =	sadd.s32 $0xFFFFE003, lr  }
0x1b: {  	s9 =	sadd.s32 $0xFFFFFEF7, lr;
	s5 =	simm.s32 $0xFFFFFFFF;
	p2 =	slt.u32 s8, $0xFFFFF086  }
0x1c: {  	p1 =	slt.u32 s9, $0xF7A;
	s5 =	simm.s32 @!p2 $0x0  }
0x1d: {  	s5 =	simm.s32 @p1 $0x1;
	p0 =	seq.s32 s7, s2  }
0x1e: {  	s7 =	smul.u32 @!p0 $0xF7A, s2;
	p2 =	seq.s32 @!p0 s5, $0x0  }
0x1f: {  	s9 =	smul.u32 $0xF7A, s1;
	s8 =	simm.s32 @!p0 $0x1BF5;
	p2 =	por !p2, p0  }
0x20: {  	[sflag:s8] =	ssyncset.s32 @!p0 $0xFFFFF086;
	s6 =	sadd.s32 @!p0 s3, s7;
	s7 =	simm.s32 @!p0 $0x108  }
0x21: {  	s3 =	sadd.s32 s3, s9;
	s6 =	sadd.s32 @!p0 $0x88, s6;
	s7 =	simm.s32 @p2 $0x1082  }
0x22: {  	[simem:s7], [sflag:s8] =	dma.local @!p0 [hbm:s6], $0xF7A  }
0x23: {  	s9 =	sor.u32 $0xD0000000, s2;
	s6 =	simm.s32 $0x108;
	_ =	swait.ge @!p0 [sflag:s8], $0x0  }
0x24: {  	s3 =	sadd.s32 $0x88, s3;
	s6 =	simm.s32 @!p1 $0x1082;
	[sflag:s4] =	ssyncset.s32 $0xFFFFF086  }
0x25: {  	[simem:s6], [sflag:s4] =	dma.local [hbm:s3], $0xF7A  }
0x26: {  	[smem:$0x3F9F] =	sst s1;
	(tag) =	ssettag s2;
	_ =	strace s9  }
0x27: {  	s1 =	sld [smem:$0x3FAF]  }
0x28: {  	s2 =	sld [smem:$0x3FB0]  }
0x29: {  	s4 =	sld [smem:$0x3FB2]  }
0x2a: {  	p0 =	seq.s32 s5, $0x0;
	s5 =	sld [smem:$0x3FB3]  }
0x2b: {  	s6 =	sld [smem:$0x3FB4]  }
0x2c: {  	s7 =	sld [smem:$0x3FB5]  }
0x2d: {  	s3 =	simm.s32 $0x108;
	s8 =	sld [smem:$0x3FB6]  }
0x2e: {  	s3 =	simm.s32 @!p0 $0x1082;
	s9 =	sld [smem:$0x3FB7]  }
0x2f: {  	lr =	sadd.s32 s0, s3;
	s0 =	sld [smem:$0x3FAE]  }
0x30: {  	s3 =	sld [smem:$0x3FB1]  }
0x31: {  	[smem:$0x3FBA] =	sst s10  }
0x32: {  	s10 =	sld [smem:$0x3FB8];
	_ =	sdelay $0x3  }
0x33: {  	p0 =	seq.s32 s10, $0x1;
	s10 =	sld [smem:$0x3FBA];
	_ =	sdelay $0x3  }
0x34: {  	[smem:$0x3FBA] =	sst s10  }
0x35: {  	s10 =	sld [smem:$0x3FB9];
	_ =	sdelay $0x3  }
0x36: {  	p1 =	seq.s32 s10, $0x1;
	s10 =	sld [smem:$0x3FBA];
	_ =	sdelay $0x3  }
0x37: {  	[smem:$0x3FBA] =	sst s10  }
0x38: {  	s10 =	sld [smem:$0x3FBB]  }
0x39: {  	_ = 	snop;
	(pc) =	sbr.ind lr, $3  }
0x3a: {  	_ = 	snop  }
0x3b: {  	_ = 	snop  }
0x3c: {  	p2 =	seq.s32 s10, $0x1;
	s10 =	sld [smem:$0x3FBA]  }
0x3d: {  	_ =	shalt  }
0x3e: {  	_ =	shalt  }
0x3f: {  	_ =	shalt  }
0x40: {  	_ =	shalt  }
0x41: {  	_ =	shalt  }
0x42: {  	_ =	shalt  }
0x43: {  	_ =	shalt  }
0x44: {  	_ =	shalt  }
0x45: {  	_ =	shalt  }
0x46: {  	_ =	shalt  }
0x47: {  	_ =	shalt  }
0x48: {  	_ =	shalt  }
0x49: {  	_ =	shalt  }
0x4a: {  	_ =	shalt  }
0x4b: {  	_ =	shalt  }
0x4c: {  	_ =	shalt  }
0x4d: {  	_ =	shalt  }
0x4e: {  	_ =	shalt  }
0x4f: {  	_ =	shalt  }
0x50: {  	_ =	shalt  }
0x51: {  	_ =	shalt  }
0x52: {  	_ =	shalt  }
0x53: {  	_ =	shalt  }
0x54: {  	_ =	shalt  }
0x55: {  	_ =	shalt  }
0x56: {  	_ =	shalt  }
0x57: {  	_ =	shalt  }
0x58: {  	_ =	shalt  }
0x59: {  	_ =	shalt  }
0x5a: {  	_ =	shalt  }
0x5b: {  	_ =	shalt  }
0x5c: {  	_ =	shalt  }
0x5d: {  	_ =	shalt  }
0x5e: {  	_ =	shalt  }
0x5f: {  	_ =	shalt  }
0x60: {  	_ =	shalt  }
0x61: {  	_ =	shalt  }
0x62: {  	_ =	shalt  }
0x63: {  	_ =	shalt  }
0x64: {  	_ =	shalt  }
0x65: {  	_ =	shalt  }
0x66: {  	_ =	shalt  }
0x67: {  	_ =	shalt  }
0x68: {  	_ =	shalt  }
0x69: {  	_ =	shalt  }
0x6a: {  	_ =	shalt  }
0x6b: {  	_ =	shalt  }
0x6c: {  	_ =	shalt  }
0x6d: {  	_ =	shalt  }
0x6e: {  	_ =	shalt  }
0x6f: {  	_ =	shalt  }
0x70: {  	_ =	shalt  }
0x71: {  	_ =	shalt  }
0x72: {  	_ =	shalt  }
0x73: {  	_ =	shalt  }
0x74: {  	_ =	shalt  }
0x75: {  	_ =	shalt  }
0x76: {  	_ =	shalt  }
0x77: {  	_ =	shalt  }
0x78: {  	_ =	shalt  }
0x79: {  	_ =	shalt  }
0x7a: {  	_ =	shalt  }
0x7b: {  	_ =	shalt  }
0x7c: {  	_ =	shalt  }
0x7d: {  	_ =	shalt  }
0x7e: {  	_ =	shalt  }
0x7f: {  	_ =	shalt  }
0x80: {  	_ =	shalt  }
0x81: {  	_ =	shalt  }
0x82: {  	_ =	shalt  }
0x83: {  	_ =	shalt  }
0x84: {  	_ =	shalt  }
0x85: {  	_ =	shalt  }
0x86: {  	_ =	shalt  }
0x87: {  	_ =	shalt  }
.Lfunc_end0:
.L_simem_size_0:
called_computation_lowered:
.L_overlay_start_0:
0x88: {  	s2 =	sld [smem:$0x3FD9]  }
0x89: {  	s3 =	sld [smem:$0x3FFE];
	_ =	sdelay $0x1  }
0x8a: {  	s1 =	srdreg.scid  }
0x8b: {  	s0 =	sand.u32 $0x1, s1  }
0x8c: {  	s18 =	sshll.u32 s0, $0xA;
	s2 =	sadd.s32 s3, s2  }
0x8d: {  	s2 =	sadd.s32 s2, s18  }
0x8e: {  	[smem:$0x3FC6] =	sst s2  }
0x8f: {  	_ = 	snop  }
0x90: {  	s2 =	sld [smem:$0x3FC9]  }
0x91: {  	s19 =	sld [smem:$0x3FC8]  }
0x92: {  	s4 =	sld [smem:$0x3FD0];
	(tm) =	ssettm $0x1  }
0x93: {  	s5 =	sld [smem:$0x3FFB];
	_ =	sdelay $0x3  }
0x94: {  	_ =	strace s5  }
0x95: {  	s5 =	sld [smem:$0x3FFC];
	_ =	sdelay $0x3  }
0x96: {  	_ =	strace s5  }
0x97: {  	s5 =	sld [smem:$0x3FFD];
	_ =	sdelay $0x3  }
0x98: {  	_ =	strace s5  }
0x99: {  	_ =	strace $0x8FFFFFFF  }
0x9a: {  	s20 =	sld [smem:$0x3FDB];
	_ =	sdelay $0x1  }
0x9b: {  	s6 =	simm.s32 $_scs_section_size  }
0x9c: {  	s7 =	simm.s32 $_size__tile_overlayer_lowered;
	s8 =	simm.s32 $_tile_overlayer_lowered  }
0x9d: {  	s23 =	simm.s32 $0x1BFF;
	s22 =	sshll.u32 s8, $0x1;
	s5 =	sadd.s32 s6, s20  }
0x9e: {  	s9 =	simm.s32 $0x0;
	s21 =	sshll.u32 s7, $0x1;
	s7 =	sadd.s32 s22, s5  }
0x9f: {  	[timem:s9], [sflag:s23] =	dma.local [hbm:s7], s21  }
0xa0: {  	_ =	swait.ge [sflag:s23], s21  }
0xa1: {  	s6 =	ssub.s32 $0x0, s21;
	[sflag:s23] =	ssyncset.done $0x0  }
0xa2: {  	[sflag:s23] =	ssyncadd.s32 s6;
	_ =	sdelay $0x1  }
0xa3: {  	s24 =	simm.s32 $0x1B8B  }
0xa4: {  	_ =	swait.ge [sflag:s24], $0x1  }
0xa5: {  	[sflag:s24] =	ssyncset.done $0x0  }
0xa6: {  	s25 =	simm.s32 $0x1B8E;
	[sflag:s24] =	ssyncadd.s32 $0xFFFFFFFF  }
0xa7: {  	s26 =	simm.s32 $execute0_lowered;
	[smem:$0x3FD2] =	sst s25  }
0xa8: {  	s6 =	sshll.u32 s26, $0x1;
	_ =	strace $0x80000046;
	[dreg:$0x1] =	wrdreg $0xFFFFFFFF  }
0xa9: {  	s28 =	simm.s32 $_size_execute0_lowered;
	s5 =	sadd.s32 s5, s6;
	[dreg:$0x0] =	wrdreg $0x0  }
0xaa: {  	s6 =	sshll.u32 s28, $0x1;
	[dreg:$0x2] =	wrdreg s5  }
0xab: {  	[dreg:$0x3] =	wrdreg s6  }
0xac: {  	[dreg:$0x4] =	wrdreg $0xC0  }
0xad: {  	_ =	task [dreg:s9], $0x5FFFF  }
0xae: {  	[dreg:$0x1] =	wrdreg $0xFFFFFFFF  }
0xaf: {  	[dreg:$0x0] =	wrdreg $0x60  }
0xb0: {  	[dreg:$0x2] =	wrdreg s2  }
0xb1: {  	[dreg:$0x3] =	wrdreg s19  }
0xb2: {  	[dreg:$0x4] =	wrdreg s4  }
0xb3: {  	[dreg:$0x5] =	wrdreg $0x9  }
0xb4: {  	_ =	task.clear_ibuf [dreg:s9], $0x6FFFF;
	_ =	strace $0x90000046  }
0xb5: {  	s29 =	simm.s32 $0x9;
	_ =	strace $0x80000048  }
0xb6: {  	_ =	swait.ge [sflag:s29], $0x1  }
0xb7: {  	[sflag:s29] =	ssyncadd.s32 $0xFFFFFFFF  }
0xb8: {  	_ =	strace $0x90000048  }
0xb9: {  	_ =	sfence  }
0xba: {  	s30 =	sld [smem:$0x0];
	_ =	sdelay $0x2  }
0xbb: {  	s31 =	sshll.u32 s1, $0xD;
	s1 =	sshrl.u32 s1, $0x2  }
0xbc: {  	s3 =	sand.u32 $0x4000, s31;
	s1 =	sadd.s32 s1, s30  }
0xbd: {  	s0 =	sor.u32 s3, s0;
	s1 =	sshll.u32 s1, $0x11  }
0xbe: {  	s0 =	sor.u32 s1, s0  }
0xbf: {  	s0 =	sadd.s32 $0x8F2B, s0  }
0xc0: {  	[sflag:s0] =	ssyncadd.remote.s32 $0x1  }
0xc1: {  	_ =	sfence.sel $0xFFFF  }
0xc2: {  	[dreg:$0x0] =	wrdreg $0xFFFFFFFF;
	(pc) =	sbr.abs _section_cstart, $3  }
0xc3: {  	[dreg:$0x1] =	wrdreg $0xFFFFFFFF  }
0xc4: {  	_ =	task.clear_ibuf [dreg:s9], $0x2FFFF;
	_ =	strace $0x9FFFFFFF  }
0xc5: {  	(tm) =	ssettm $0x7FFFFFFF  }
tec
execute0_lowered:
.L_overlay_start_1:
0x0: {  	(tag) =	ssettag $0x1  }
0x1: {  	s1 =	rddreg [dreg:$0x0]  }
0x2: {  	s2 =	srdreg.scid;
	s4 =	rddreg [dreg:$0x1]  }
0x3: {  	s0 =	stileid.u32;
	s6 =	rddreg [dreg:$0x2]  }
0x4: {  	s3 =	simm.s32 $0x0;
	s12 =	simm.s32 $0x80;
	s13 =	simm.s32 $0x2  }
0x5: {  	s14 =	simm.s32 $0x1;
	s15 =	simm.s32 $0x1900;
	s16 =	simm.s32 $0x0  }
0x6: {  	s5 =	sand.u32 $0x1, s2;
	s31 =	sshll.u32 s0, $0x1;
	s2 =	rddreg [dreg:$0x3]  }
0x7: {  	s9 =	smul.u32 $0x3200, s0;
	s7 =	sor.u32 s5, s31;
	s8 =	ssub.s32 $0x2, s5  }
0x8: {  	[smem:$0x7FF] =	sst s3;
	s7 =	smul.u32 $0x1900, s7;
	s10 =	sshrl.u32 s8, $0x1  }
0x9: {  	s11 =	smul.u32 $0x1900, s5;
	_ =	strace $0x80000047;
	s8 =	ssub.s32 s8, s10  }
0xa: {  	s10 =	simm.s32 $0xC80;
	s7 =	sshrl.u32 s7, $0x3;
	s8 =	smax.u32 s8, $0x1  }
0xb: {  	s4 =	sadd.s32 s4, s7;
	s6 =	sadd.s32 s6, s7;
	s7 =	sadd.s32 s11, s9  }
0xc: {  	v0 =	vlaneseq.u32;
	s11 =	simm.s32 $0x3;
	s5 =	sadd.s32 $0x190, s4;
	s9 =	sadd.s32 $0xC80, s7  }
.LBB2_1:
0xd: {  	[tilespmem:s10], [sflag:$0x2] =	stream.linear.gather [hbm4b:s5+s3], $0xC80, $0x38;
	[tilespmem:$0x3200] =	vst v63  }
0xe: {  	_ = 	snop  }
0xf: {  	[tilespmem:s3], [sflag:$0x3] =	stream.linear.gather [hbm4b:s4+s3], $0xC80, $0x38;
	[tilespmem:$0x3200] =	vst v63  }
0x10: {  	_ =	swait.ge [sflag:s11], $0xC80  }
0x11: {  	s17 =	simm.s32 $0x0;
	[sflag:s11] =	ssyncset.done $0x0  }
0x12: {  	s18 =	smov.u32 s7;
	s19 =	simm.s32 $0x0;
	[sflag:s11] =	ssyncadd.s32 $0xFFFFF380  }
.LBB2_2:
0x13: {  	v1 =	vmov s17;
	_ =	sdelay $0x3  }
0x14: {  	s22 =	simm.s32 $0x0  }
0x15: {  	v2 =	vld.idx.msk [tilespmem:v1+s22+$0x0 ss:$0x1], $0xffff;
	_ =	sdelay $0x4  }
0x16: {  	v3 =	vor.u32 s18, v0;
	v4 =	vshll.u32 v2, $0x7  }
0x17: {  	v3 =	vand.u32 $0x1C7F, v3;
	v2 =	vshll.u32 v2, $0xA;
	v4 =	vand.u32 $0x380, v4  }
0x18: {  	v2 =	vand.u32 $0xFFFFE000, v2;
	v3 =	vor.u32 v3, v4  }
0x19: {  	s20 =	sshll.u32 s19, $0x7;
	v2 =	vor.u32 v2, v3  }
0x1a: {  	s21 =	simm.s32 $0x10;
	s23 =	simm.s32 $0x80;
	[tilespmem:v1+s22+$0x0 ss:$0x1] =	vst.idx.msk $0xffff, v2;
	s22 =	smov.u32 s18  }
.LBB2_3:
0x1b: {  	p0 =	sne.s32 s23, $0x1C0;
	v2 =	vld.idx.msk [tilespmem:v1+s21+$0x0 ss:$0x1], $0xffff;
	_ =	sdelay $0x4  }
0x1c: {  	s22 =	sadd.s32 $0x10, s22  }
.Ltmp0:
0x1d: {  	v3 =	vor.u32 s22, v0;
	v4 =	vshll.u32 v2, $0x7;
	(pc) =	sbr.rel @p0 .LBB2_3-.Ltmp0, $4  }
0x1e: {  	v3 =	vand.u32 $0x1C7F, v3;
	v2 =	vshll.u32 v2, $0xA;
	v4 =	vand.u32 $0x380, v4  }
0x1f: {  	v2 =	vand.u32 $0xFFFFE000, v2;
	v3 =	vor.u32 v3, v4  }
0x20: {  	v2 =	vor.u32 v2, v3  }
0x21: {  	[tilespmem:v1+s21+$0x0 ss:$0x1] =	vst.idx.msk $0xffff, v2;
	s21 =	sshra.s32 s23, $0x2;
	s23 =	sadd.s32 $0x40, s23  }
0x22: {  	_ =	sdelay $0x3  }
0x23: {  	v2 =	vld.idx.msk [tilespmem:v1+s21+$0x0 ss:$0x1], $0xffff;
	_ =	sdelay $0x3  }
0x24: {  	s22 =	sadd.s32 $0x10, s22;
	s19 =	sadd.s32 $0x1, s19  }
0x25: {  	v3 =	vor.u32 s22, v0;
	p0 =	sne.s32 s19, $0x19;
	v4 =	vshll.u32 v2, $0x7  }
.Ltmp1:
0x26: {  	v3 =	vand.u32 $0x1C7F, v3;
	v2 =	vshll.u32 v2, $0xA;
	v4 =	vand.u32 $0x380, v4;
	(pc) =	sbr.rel @p0 .LBB2_2-.Ltmp1, $4  }
0x27: {  	v2 =	vand.u32 $0xFFFFE000, v2;
	v3 =	vor.u32 v3, v4  }
0x28: {  	v2 =	vor.u32 v2, v3  }
0x29: {  	s31 =	sadd.s32 $0x1900, s20;
	s18 =	sadd.s32 $0x80, s18;
	s17 =	sadd.s32 $0x80, s17;
	[tilespmem:v1+s21+$0x0 ss:$0x1] =	vst.idx.msk $0xffff, v2  }
0x2a: {  	[tilespmem:s31], [sflag:$0x1] =	stream.indirect.gather [hbm4b:s1+s12], $0x1, s20, s12, $0xb8;
	[tilespmem:$0x3200] =	vst v63  }
0x2b: {  	_ =	swait.ge [sflag:s13], $0xC80  }
0x2c: {  	s17 =	simm.s32 $0x19;
	[sflag:s13] =	ssyncset.done $0x0  }
0x2d: {  	s18 =	simm.s32 $0xC80;
	s19 =	smov.u32 s9;
	[sflag:s13] =	ssyncadd.s32 $0xFFFFF380  }
.LBB2_6:
0x2e: {  	v1 =	vmov s18;
	_ =	sdelay $0x3  }
0x2f: {  	s22 =	simm.s32 $0x0  }
0x30: {  	v2 =	vld.idx.msk [tilespmem:v1+s22+$0x0 ss:$0x1], $0xffff;
	_ =	sdelay $0x4  }
0x31: {  	v3 =	vor.u32 s19, v0;
	v4 =	vshll.u32 v2, $0x7  }
0x32: {  	v3 =	vand.u32 $0x1C7F, v3;
	v2 =	vshll.u32 v2, $0xA;
	v4 =	vand.u32 $0x380, v4  }
0x33: {  	v2 =	vand.u32 $0xFFFFE000, v2;
	v3 =	vor.u32 v3, v4  }
0x34: {  	s20 =	sshll.u32 s17, $0x7;
	v2 =	vor.u32 v2, v3  }
0x35: {  	s21 =	simm.s32 $0x10;
	s23 =	simm.s32 $0x80;
	[tilespmem:v1+s22+$0x0 ss:$0x1] =	vst.idx.msk $0xffff, v2;
	s22 =	smov.u32 s19  }
.LBB2_7:
0x36: {  	p0 =	sne.s32 s23, $0x1C0;
	v2 =	vld.idx.msk [tilespmem:v1+s21+$0x0 ss:$0x1], $0xffff;
	_ =	sdelay $0x4  }
0x37: {  	s22 =	sadd.s32 $0x10, s22  }
.Ltmp2:
0x38: {  	v3 =	vor.u32 s22, v0;
	v4 =	vshll.u32 v2, $0x7;
	(pc) =	sbr.rel @p0 .LBB2_7-.Ltmp2, $4  }
0x39: {  	v3 =	vand.u32 $0x1C7F, v3;
	v2 =	vshll.u32 v2, $0xA;
	v4 =	vand.u32 $0x380, v4  }
0x3a: {  	v2 =	vand.u32 $0xFFFFE000, v2;
	v3 =	vor.u32 v3, v4  }
0x3b: {  	v2 =	vor.u32 v2, v3  }
0x3c: {  	[tilespmem:v1+s21+$0x0 ss:$0x1] =	vst.idx.msk $0xffff, v2;
	s21 =	sshra.s32 s23, $0x2;
	s23 =	sadd.s32 $0x40, s23  }
0x3d: {  	_ =	sdelay $0x3  }
0x3e: {  	v2 =	vld.idx.msk [tilespmem:v1+s21+$0x0 ss:$0x1], $0xffff;
	_ =	sdelay $0x3  }
0x3f: {  	s22 =	sadd.s32 $0x10, s22;
	s17 =	sadd.s32 $0x1, s17  }
0x40: {  	v3 =	vor.u32 s22, v0;
	p0 =	sne.s32 s17, $0x32;
	v4 =	vshll.u32 v2, $0x7  }
.Ltmp3:
0x41: {  	v3 =	vand.u32 $0x1C7F, v3;
	v2 =	vshll.u32 v2, $0xA;
	v4 =	vand.u32 $0x380, v4;
	(pc) =	sbr.rel @p0 .LBB2_6-.Ltmp3, $4  }
0x42: {  	v2 =	vand.u32 $0xFFFFE000, v2;
	v3 =	vor.u32 v3, v4  }
0x43: {  	v2 =	vor.u32 v2, v3  }
0x44: {  	s31 =	sadd.s32 $0x1900, s20;
	s19 =	sadd.s32 $0x80, s19;
	s18 =	sadd.s32 $0x80, s18;
	[tilespmem:v1+s21+$0x0 ss:$0x1] =	vst.idx.msk $0xffff, v2  }
0x45: {  	[tilespmem:s31], [sflag:$0x1] =	stream.indirect.gather [hbm4b:s1+s12], $0x1, s20, s12, $0xb8;
	[tilespmem:$0x3200] =	vst v63  }
0x46: {  	_ =	swait.ge [sflag:s14], $0x1900;
	s16 =	sadd.s32 $0x1, s16  }
0x47: {  	[sflag:s14] =	ssyncset.done $0x0;
	p0 =	sne.s32 s16, s8  }
.Ltmp4:
0x48: {  	[sflag:s14] =	ssyncadd.s32 $0xFFFFE700;
	(pc) =	sbr.rel @p0 .LBB2_1-.Ltmp4, $4  }
0x49: {  	[hbm4b:s6+s3] =	stream.linear.scatter [tilespmem:s15], [sflag:$0x3], $0x1900, $0x38;
	[tilespmem:$0x3200] =	vst v63  }
0x4a: {  	_ =	swait.ge [sflag:s11], $0x1900  }
0x4b: {  	[sflag:s11] =	ssyncset.done $0x0  }
0x4c: {  	[sflag:s11] =	ssyncadd.s32 $0xFFFFE700  }
0x4d: {  	_ =	sfence.sel $0x180000  }
0x4e: {  	[bflag:$0x0] =	sbarrier.arrive $0xFFFF  }
0x4f: {  	p0 =	sne.s32 s0, $0x0;
	_ =	strace $0x90000047  }
0x50: {  	s0 =	sadd.s32 @!p0 $0x100000, s2;
	[bflag:$0x2] =	sbarrier.arrive $0xFFFF  }
0x51: {  	[sflag:s0] =	ssyncadd.tile.s32 @!p0 $0x1;
	_ =	shalt  }
.Lfunc_end2:
_tile_overlayer_lowered:
.L_overlay_start_2:
0x52: {  	(tag) =	ssettag $0x2  }
0x53: {  	s0 =	rddreg [dreg:$0x0];
	s2 =	stileid.u32  }
0x54: {  	s1 =	rddreg [dreg:$0x1];
	p0 =	sne.s32 s2, $0x0  }
0x55: {  	s3 =	rddreg [dreg:$0x2];
	[bflag:$0x3] =	sbarrier.arrive $0xFFFF;
	s2 =	simm.s32 @!p0 $0x1C03  }
0x56: {  	[timem:s3], [sflag:s2] =	dma.local @!p0 [hbm:s0], s1  }
0x57: {  	s0 =	simm.s32 @!p0 $0x3  }
0x58: {  	_ =	swait.ge @!p0 [sflag:s0], s1  }
0x59: {  	s1 =	ssub.s32 @!p0 $0x0, s1;
	[sflag:s0] =	ssyncset.done @!p0 $0x0  }
0x5a: {  	[sflag:s0] =	ssyncadd.s32 @!p0 s1  }
0x5b: {  	[bflag:$0x3] =	sbarrier.arrive $0xFFFF  }
0x5c: {  	_ =	shalt  }

</sc_bundles>
